<compile_context>
chip_gen: v7x
topology: tpu7x:2x2x1
jax: 0.10.2.dev20260603
libtpu: 0.0.44.dev20260713+nightly
codegen_flags: <defaults>
</compile_context>

<pallas_src>
import functools

import jax
import jax.numpy as jnp
from jax import lax
from jax.experimental import pallas as pl
from jax.experimental.pallas import tpu as pltpu
from jax.experimental.pallas import tpu_sc as plsc

_RB = 16
_CB = 256


def _vq_body(x_ref, e_ref, idx_ref, sq_ref):
    x = x_ref[...].reshape(_RB * _CB, x_ref.shape[-1])
    e = e_ref[...]
    d, k = e.shape
    b = x.shape[0]
    ee = e + e
    e2 = jnp.sum(e * e, axis=0, keepdims=True)
    iota_row = jax.lax.broadcasted_iota(jnp.int32, (1, k), 1).astype(jnp.float32)
    ones_row = jnp.ones((1, k), jnp.float32)
    aug = jnp.concatenate([iota_row, ones_row], axis=0)

    s = (
        jax.lax.dot_general(
            x, ee, (((1,), (0,)), ((), ())), preferred_element_type=jnp.float32
        )
        - e2
    )
    m = jnp.max(s, axis=1, keepdims=True)
    maskf = (s == m).astype(jnp.float32)
    r = jax.lax.dot_general(
        maskf, aug, (((1,), (1,)), ((), ())), preferred_element_type=jnp.float32
    )
    idxf = r[:, 0:1]
    cnt = r[:, 1:2]
    tie = jnp.any(cnt != 1.0)

    x2 = jnp.sum(x * x, axis=1, keepdims=True)

    i, j = pl.program_id(0), pl.program_id(1)
    ni, nj = pl.num_programs(0), pl.num_programs(1)

    @pl.when((i == 0) & (j == 0))
    def _init():
        sq_ref[...] = jnp.zeros_like(sq_ref)

    sq_ref[...] += jnp.sum(x2 - m).reshape(1, 1)

    @pl.when(jnp.logical_not(tie))
    def _fast():
        idx_ref[...] = idxf.reshape(idx_ref.shape).astype(jnp.int32)

    @pl.when(tie)
    def _slow():
        idx2 = jnp.argmax(s, axis=1)
        idx_ref[...] = idx2.reshape(idx_ref.shape)

    @pl.when((i == ni - 1) & (j == nj - 1))
    def _fin():
        sq_ref[...] = sq_ref[...] / jnp.float32(ni * nj * b * d)


def _tc_part(inputs, embedding):
    d = embedding.shape[0]
    k = embedding.shape[1]
    rows, cols = inputs.shape[0], inputs.shape[1]

    idx, sq = pl.pallas_call(
        _vq_body,
        grid=(rows // _RB, cols // _CB),
        in_specs=[
            pl.BlockSpec((_RB, _CB, d), lambda i, j: (i, j, 0)),
            pl.BlockSpec((d, k), lambda i, j: (0, 0)),
        ],
        out_specs=[
            pl.BlockSpec((_RB, _CB), lambda i, j: (i, j)),
            pl.BlockSpec((1, 1), lambda i, j: (0, 0)),
        ],
        out_shape=[
            jax.ShapeDtypeStruct((rows, cols), jnp.int32),
            jax.ShapeDtypeStruct((1, 1), jnp.float32),
        ],
    )(inputs, embedding)
    return idx, sq


def _sc_gather(table, idx):
    k, d = table.shape
    rows, cols = idx.shape
    half = cols // 2

    mesh = plsc.VectorSubcoreMesh(core_axis_name="c", subcore_axis_name="s")

    @functools.partial(
        pl.kernel,
        mesh=mesh,
        out_type=jax.ShapeDtypeStruct((rows, cols, d), jnp.float32),
        scratch_types=[
            pltpu.VMEM((half,), jnp.int32),
            pltpu.VMEM((half, d), jnp.float32),
            pltpu.SemaphoreType.DMA,
        ],
    )
    def gather_k(table_hbm, idx_hbm, out_hbm, idx_v, rows_v, sem):
        wid = lax.axis_index("s") * 2 + lax.axis_index("c")
        r = wid // 2
        h = wid % 2
        pltpu.sync_copy(idx_hbm.at[r, pl.ds(h * half, half)], idx_v)
        pltpu.async_copy(table_hbm.at[idx_v], rows_v, sem).wait()
        pltpu.sync_copy(rows_v, out_hbm.at[r, pl.ds(h * half, half)])

    return gather_k(table, idx)


def kernel(inputs, embedding):
    idx, sq = _tc_part(inputs, embedding)
    table = jnp.pad(embedding.T, ((0, 0), (0, 64)))
    quantize = _sc_gather(table, idx)[..., : embedding.shape[0]]
    return (quantize, sq.reshape(()), idx)

# --- scband reference (transcript-rebuilt; emitter-appended) ---
"""Pipeline reference for scband-quantize-10007273800157 (READ-ONLY COPY).

The authoritative reference and input builder live on the scoring server;
editing this copy changes nothing except your own understanding.
"""

import jax, jax.numpy as jnp
import numpy as np

EMBEDDING_DIM = 64
NUM_EMBEDDINGS = 1024


def setup_inputs(seed: int = 0) -> dict:
    key = jax.random.key(seed)
    k1, k2 = jax.random.split(key)
    inputs = jax.random.normal(k1, (16, 1024, EMBEDDING_DIM), dtype=jnp.float32)
    # learned codebook buffer: [embedding_dim, num_embeddings], randn init as in torch module
    embedding = jax.random.normal(k2, (EMBEDDING_DIM, NUM_EMBEDDINGS), dtype=jnp.float32)
    return {"inputs": inputs, "embedding": embedding}


def reference(inputs, embedding):
    # eval-mode forward of Quantize (EMA buffer updates are training-only)
    d = embedding.shape[0]
    flatten = inputs.reshape(-1, d)
    distance = (
        jnp.sum(flatten ** 2, axis=1, keepdims=True)
        - 2.0 * flatten @ embedding
        + jnp.sum(embedding ** 2, axis=0, keepdims=True)
    )
    embedding_indices = jnp.argmax(-distance, axis=1)
    embedding_indices = embedding_indices.reshape(inputs.shape[:-1])
    # embedding_code: F.embedding(idx, embedding.T) -> gather rows of embedding.T
    quantize = jnp.take(embedding.T, embedding_indices, axis=0)
    diff = jnp.mean((jax.lax.stop_gradient(quantize) - inputs) ** 2)
    quantize = inputs + jax.lax.stop_gradient(quantize - inputs)
    return (quantize, diff, embedding_indices)

if __name__ == "__main__":
    import jax
    _d = setup_inputs()
    print(jax.jit(kernel)(*tuple(_d.values())))

</pallas_src>

<mosaic_0001>
#map = affine_map<(d0, d1) -> (0, 0)>
#map1 = affine_map<(d0, d1) -> (0, 0, 0)>
module attributes {stable_mosaic.version = 14 : i64} {
  func.func @gather_k(%arg0: i32, %arg1: i32, %arg2: memref<1024x128xf32, #tpu.memory_space<hbm>>, %arg3: memref<16x1024xi32, #tpu.memory_space<hbm>>, %arg4: memref<16x1024x128xf32, #tpu.memory_space<hbm>>, %arg5: memref<512xi32, #tpu.memory_space<vmem>>, %arg6: memref<512x128xf32, #tpu.memory_space<vmem>>, %arg7: memref<!tpu.dma_semaphore, #tpu.memory_space<semaphore_mem>>) attributes {dimension_semantics = [#tpu.dimension_semantics<core_parallel>, #tpu.dimension_semantics<subcore_parallel>], iteration_bounds = array<i64: 2, 16>, scalar_prefetch = 0 : i64, scratch_operands = 3 : i64, tpu.core_type = #tpu.core_type<sc_vector_subcore>, window_params = [{transform_indices = #map}, {transform_indices = #map}, {transform_indices = #map1}]} {
    %mul3A = arith.constant 2 : i32
    %mul3A_0 = arith.muli %arg1, %mul3A : i32
    %add3A = arith.addi %mul3A_0, %arg0 : i32
    %jit3A = arith.constant 2 : i32
    %div3A = arith.divsi %add3A, %jit3A : i32
    %sign3A = arith.constant 0 : i32
    %sign3A_1 = arith.cmpi sgt, %add3A, %sign3A : i32
    %sign3A_2 = arith.extui %sign3A_1 : i1 to i32
    %sign3A_3 = arith.constant 0 : i32
    %sign3A_4 = arith.cmpi slt, %add3A, %sign3A_3 : i32
    %sign3A_5 = arith.extui %sign3A_4 : i1 to i32
    %sign3A_6 = arith.subi %sign3A_2, %sign3A_5 : i32
    %sign3A_7 = arith.constant 0 : i32
    %sign3A_8 = arith.cmpi sgt, %jit3A, %sign3A_7 : i32
    %sign3A_9 = arith.extui %sign3A_8 : i1 to i32
    %sign3A_10 = arith.constant 0 : i32
    %sign3A_11 = arith.cmpi slt, %jit3A, %sign3A_10 : i32
    %sign3A_12 = arith.extui %sign3A_11 : i1 to i32
    %sign3A_13 = arith.subi %sign3A_9, %sign3A_12 : i32
    %ne3A = arith.cmpi ne, %sign3A_6, %sign3A_13 : i32
    %rem3A = arith.remsi %add3A, %jit3A : i32
    %ne3A_14 = arith.constant 0 : i32
    %ne3A_15 = arith.cmpi ne, %rem3A, %ne3A_14 : i32
    %and3A = arith.andi %ne3A, %ne3A_15 : i1
    %sub3A = arith.constant 1 : i32
    %sub3A_16 = arith.subi %div3A, %sub3A : i32
    %select_n3A = arith.select %and3A, %sub3A_16, %div3A : i32
    %jit3A_17 = arith.constant 2 : i32
    %eq3A = arith.constant 0 : i32
    %eq3A_18 = arith.cmpi eq, %jit3A_17, %eq3A : i32
    %jit3A_19 = arith.constant 1 : i32
    %select_n3A_20 = arith.select %eq3A_18, %jit3A_19, %jit3A_17 : i32
    %rem3A_21 = arith.remsi %add3A, %select_n3A_20 : i32
    %ne3A_22 = arith.constant 0 : i32
    %ne3A_23 = arith.cmpi ne, %rem3A_21, %ne3A_22 : i32
    %lt3A = arith.constant 0 : i32
    %lt3A_24 = arith.cmpi slt, %rem3A_21, %lt3A : i32
    %lt3A_25 = arith.constant 0 : i32
    %lt3A_26 = arith.cmpi slt, %select_n3A_20, %lt3A_25 : i32
    %ne3A_27 = arith.xori %lt3A_24, %lt3A_26 : i1
    %and3A_28 = arith.andi %ne3A_27, %ne3A_23 : i1
    %add3A_29 = arith.addi %rem3A_21, %select_n3A_20 : i32
    %select_n3A_30 = arith.select %and3A_28, %add3A_29, %rem3A_21 : i32
    %mul3A_31 = arith.constant 512 : i32
    %mul3A_32 = arith.muli %select_n3A_30, %mul3A_31 : i32
    "tpu.region"() ({
      %run_scoped3A = tpu.sem_alloc : memref<!tpu.dma_semaphore, #tpu.memory_space<semaphore_mem>>
      %dma_start3A_39 = tpu.memref_slice %arg3[%select_n3A, %mul3A_32] : memref<16x1024xi32, #tpu.memory_space<hbm>> -> memref<1x512xi32, #tpu.memory_space<hbm>>
      %dma_start3A_40 = tpu.memref_squeeze %dma_start3A_39 : memref<1x512xi32, #tpu.memory_space<hbm>> -> memref<512xi32, #tpu.memory_space<hbm>>
      %dma_start3A_41 = tpu.memref_slice %arg3[%select_n3A, %mul3A_32] : memref<16x1024xi32, #tpu.memory_space<hbm>> -> memref<1x512xi32, #tpu.memory_space<hbm>>
      %dma_start3A_42 = tpu.memref_squeeze %dma_start3A_41 : memref<1x512xi32, #tpu.memory_space<hbm>> -> memref<512xi32, #tpu.memory_space<hbm>>
      tpu.enqueue_dma source(%dma_start3A_42 : memref<512xi32, #tpu.memory_space<hbm>>) target(%arg5 : memref<512xi32, #tpu.memory_space<vmem>>) target_semaphore(%run_scoped3A : memref<!tpu.dma_semaphore, #tpu.memory_space<semaphore_mem>>)
      %dma_wait3A_43 = tpu.memref_slice %arg3[%select_n3A, %mul3A_32] : memref<16x1024xi32, #tpu.memory_space<hbm>> -> memref<1x512xi32, #tpu.memory_space<hbm>>
      %dma_wait3A_44 = tpu.memref_squeeze %dma_wait3A_43 : memref<1x512xi32, #tpu.memory_space<hbm>> -> memref<512xi32, #tpu.memory_space<hbm>>
      %dma_wait3A_45 = tpu.memref_slice %arg3[%select_n3A, %mul3A_32] : memref<16x1024xi32, #tpu.memory_space<hbm>> -> memref<1x512xi32, #tpu.memory_space<hbm>>
      %dma_wait3A_46 = tpu.memref_squeeze %dma_wait3A_45 : memref<1x512xi32, #tpu.memory_space<hbm>> -> memref<512xi32, #tpu.memory_space<hbm>>
      tpu.wait_dma2 semaphore(%run_scoped3A : memref<!tpu.dma_semaphore, #tpu.memory_space<semaphore_mem>>) src(%dma_wait3A_46 : memref<512xi32, #tpu.memory_space<hbm>>) dst(%arg5 : memref<512xi32, #tpu.memory_space<vmem>>)
      tpu.yield
    }) : () -> ()
    %dma_start3A = arith.constant 0 : i32
    %dma_start3A_33 = arith.constant 0 : i32
    %dma_start3A_34 = tpu.memref_slice %arg2[%dma_start3A, %dma_start3A_33] : memref<1024x128xf32, #tpu.memory_space<hbm>> -> memref<1024x128xf32, #tpu.memory_space<hbm>>
    tpu.enqueue_indirect_dma source(%dma_start3A_34 : memref<1024x128xf32, #tpu.memory_space<hbm>>) target(%arg6 : memref<512x128xf32, #tpu.memory_space<vmem>>) offsets(%arg5 : memref<512xi32, #tpu.memory_space<vmem>>) semaphore(%arg7 : memref<!tpu.dma_semaphore, #tpu.memory_space<semaphore_mem>>)
    %dma_wait3A = arith.constant 0 : i32
    %dma_wait3A_35 = arith.constant 0 : i32
    %dma_wait3A_36 = tpu.memref_slice %arg2[%dma_wait3A, %dma_wait3A_35] : memref<1024x128xf32, #tpu.memory_space<hbm>> -> memref<1024x128xf32, #tpu.memory_space<hbm>>
    tpu.wait_indirect_dma semaphore(%arg7 : memref<!tpu.dma_semaphore, #tpu.memory_space<semaphore_mem>>) src(%dma_wait3A_36 : memref<1024x128xf32, #tpu.memory_space<hbm>>) dst(%arg6 : memref<512x128xf32, #tpu.memory_space<vmem>>)
    %mul3A_37 = arith.constant 512 : i32
    %mul3A_38 = arith.muli %select_n3A_30, %mul3A_37 : i32
    "tpu.region"() ({
      %run_scoped3A = tpu.sem_alloc : memref<!tpu.dma_semaphore, #tpu.memory_space<semaphore_mem>>
      %dma_start3A_39 = arith.constant 0 : i32
      %dma_start3A_40 = tpu.memref_slice %arg4[%select_n3A, %mul3A_38, %dma_start3A_39] : memref<16x1024x128xf32, #tpu.memory_space<hbm>> -> memref<1x512x128xf32, #tpu.memory_space<hbm>>
      %dma_start3A_41 = tpu.memref_squeeze %dma_start3A_40 : memref<1x512x128xf32, #tpu.memory_space<hbm>> -> memref<512x128xf32, #tpu.memory_space<hbm>>
      %dma_start3A_42 = arith.constant 0 : i32
      %dma_start3A_43 = tpu.memref_slice %arg4[%select_n3A, %mul3A_38, %dma_start3A_42] : memref<16x1024x128xf32, #tpu.memory_space<hbm>> -> memref<1x512x128xf32, #tpu.memory_space<hbm>>
      %dma_start3A_44 = tpu.memref_squeeze %dma_start3A_43 : memref<1x512x128xf32, #tpu.memory_space<hbm>> -> memref<512x128xf32, #tpu.memory_space<hbm>>
      tpu.enqueue_dma source(%arg6 : memref<512x128xf32, #tpu.memory_space<vmem>>) target(%dma_start3A_44 : memref<512x128xf32, #tpu.memory_space<hbm>>) target_semaphore(%run_scoped3A : memref<!tpu.dma_semaphore, #tpu.memory_space<semaphore_mem>>)
      %dma_wait3A_45 = arith.constant 0 : i32
      %dma_wait3A_46 = tpu.memref_slice %arg4[%select_n3A, %mul3A_38, %dma_wait3A_45] : memref<16x1024x128xf32, #tpu.memory_space<hbm>> -> memref<1x512x128xf32, #tpu.memory_space<hbm>>
      %dma_wait3A_47 = tpu.memref_squeeze %dma_wait3A_46 : memref<1x512x128xf32, #tpu.memory_space<hbm>> -> memref<512x128xf32, #tpu.memory_space<hbm>>
      %dma_wait3A_48 = arith.constant 0 : i32
      %dma_wait3A_49 = tpu.memref_slice %arg4[%select_n3A, %mul3A_38, %dma_wait3A_48] : memref<16x1024x128xf32, #tpu.memory_space<hbm>> -> memref<1x512x128xf32, #tpu.memory_space<hbm>>
      %dma_wait3A_50 = tpu.memref_squeeze %dma_wait3A_49 : memref<1x512x128xf32, #tpu.memory_space<hbm>> -> memref<512x128xf32, #tpu.memory_space<hbm>>
      tpu.wait_dma2 semaphore(%run_scoped3A : memref<!tpu.dma_semaphore, #tpu.memory_space<semaphore_mem>>) src(%arg6 : memref<512x128xf32, #tpu.memory_space<vmem>>) dst(%dma_wait3A_50 : memref<512x128xf32, #tpu.memory_space<hbm>>)
      tpu.yield
    }) : () -> ()
    return
  }
}

module attributes {stable_mosaic.version = 14 : i64} {
  func.func @_vq_body(%arg0: i32, %arg1: i32, %arg2: memref<16x256x64xf32, #tpu.memory_space<vmem>>, %arg3: memref<64x1024xf32, #tpu.memory_space<vmem>>, %arg4: memref<16x256xi32, #tpu.memory_space<vmem>>, %arg5: memref<1x1xf32, #tpu.memory_space<vmem>>) attributes {dimension_semantics = [#tpu.dimension_semantics<arbitrary>, #tpu.dimension_semantics<arbitrary>], iteration_bounds = array<i64: 1, 4>, scalar_prefetch = 0 : i64, scratch_operands = 0 : i64, tpu.core_type = #tpu.core_type<tc>, window_params = [{transform_indices = @transform_0, window_bounds = array<i64: 16, 256, 64>}, {pipeline_mode = #tpu.pipeline_mode<synchronous>, transform_indices = @transform_1, window_bounds = array<i64: 64, 1024>}, {transform_indices = @transform_2, window_bounds = array<i64: 16, 256>}, {pipeline_mode = #tpu.pipeline_mode<synchronous>, transform_indices = @transform_3, window_bounds = array<i64: 1, 1>}]} {
    %get3A = arith.constant 0 : index
    %get3A_0 = arith.constant 0 : index
    %get3A_1 = arith.constant 0 : index
    %get3A_2 = vector.load %arg2[%get3A, %get3A_0, %get3A_1] : memref<16x256x64xf32, #tpu.memory_space<vmem>>, vector<16x256x64xf32>
    %reshape3A = vector.shape_cast %get3A_2 : vector<16x256x64xf32> to vector<4096x64xf32>
    %get3A_3 = arith.constant 0 : index
    %get3A_4 = arith.constant 0 : index
    %get3A_5 = vector.load %arg3[%get3A_3, %get3A_4] : memref<64x1024xf32, #tpu.memory_space<vmem>>, vector<64x1024xf32>
    %add3A = arith.addf %get3A_5, %get3A_5 : vector<64x1024xf32>
    %mul3A = arith.mulf %get3A_5, %get3A_5 : vector<64x1024xf32>
    %reduce_sum3A = arith.constant dense<0.000000e+00> : vector<1024xf32>
    %reduce_sum3A_6 = vector.multi_reduction <add>, %mul3A, %reduce_sum3A [0] : vector<64x1024xf32> to vector<1024xf32>
    %broadcast_in_dim3A = vector.shape_cast %reduce_sum3A_6 : vector<1024xf32> to vector<1x1024xf32>
    %iota3A = tpu.iota {dimensions = array<i32: 1>} : vector<1x1024xi32>
    %convert_element_type3A = arith.sitofp %iota3A : vector<1x1024xi32> to vector<1x1024xf32>
    %broadcast_in_dim3A_7 = arith.constant 1.000000e+00 : f32
    %broadcast_in_dim3A_8 = vector.broadcast %broadcast_in_dim3A_7 : f32 to vector<1x1024xf32>
    %concatenate3A = tpu.concatenate %convert_element_type3A, %broadcast_in_dim3A_8 in 0 : vector<1x1024xf32>, vector<1x1024xf32> -> vector<2x1024xf32>
    %dot_general3A = arith.constant dense<0.000000e+00> : vector<4096x1024xf32>
    %dot_general3A_9 = tpu.matmul %reshape3A, %add3A, %dot_general3A {dimension_numbers = #tpu.dot_dimension_numbers<[1], [0], [0], [1], [0, 0, 1, 1], [], []>, transpose_lhs_hint = false} : vector<4096x64xf32>, vector<64x1024xf32>, vector<4096x1024xf32> -> vector<4096x1024xf32>
    %sub3A = vector.broadcast %broadcast_in_dim3A : vector<1x1024xf32> to vector<4096x1024xf32>
    %sub3A_10 = arith.subf %dot_general3A_9, %sub3A : vector<4096x1024xf32>
    %reduce_max3A = arith.constant dense<0xFF800000> : vector<4096xf32>
    %reduce_max3A_11 = vector.multi_reduction <maximumf>, %sub3A_10, %reduce_max3A [1] : vector<4096x1024xf32> to vector<4096xf32>
    %broadcast_in_dim3A_12 = vector.shape_cast %reduce_max3A_11 : vector<4096xf32> to vector<4096x1xf32>
    %eq3A = vector.broadcast %broadcast_in_dim3A_12 : vector<4096x1xf32> to vector<4096x1024xf32>
    %eq3A_13 = arith.cmpf oeq, %sub3A_10, %eq3A : vector<4096x1024xf32>
    %convert_element_type3A_14 = arith.extui %eq3A_13 : vector<4096x1024xi1> to vector<4096x1024xi32>
    %convert_element_type3A_15 = arith.sitofp %convert_element_type3A_14 : vector<4096x1024xi32> to vector<4096x1024xf32>
    %dot_general3A_16 = arith.constant dense<0.000000e+00> : vector<4096x2xf32>
    %dot_general3A_17 = tpu.matmul %convert_element_type3A_15, %concatenate3A, %dot_general3A_16 {dimension_numbers = #tpu.dot_dimension_numbers<[1], [1], [0], [0], [0, 0, 1, 0], [], []>, transpose_lhs_hint = false} : vector<4096x1024xf32>, vector<2x1024xf32>, vector<4096x2xf32> -> vector<4096x2xf32>
    %slice3A = vector.extract_strided_slice %dot_general3A_17 {offsets = [0, 0], sizes = [4096, 1], strides = [1, 1]} : vector<4096x2xf32> to vector<4096x1xf32>
    %slice3A_18 = vector.extract_strided_slice %dot_general3A_17 {offsets = [0, 1], sizes = [4096, 1], strides = [1, 1]} : vector<4096x2xf32> to vector<4096x1xf32>
    %ne3A = arith.constant 1.000000e+00 : f32
    %ne3A_19 = vector.broadcast %ne3A : f32 to vector<4096x1xf32>
    %ne3A_20 = arith.cmpf one, %slice3A_18, %ne3A_19 : vector<4096x1xf32>
    %reduce_or3A = arith.constant 1.000000e+00 : f32
    %reduce_or3A_21 = arith.constant 0.000000e+00 : f32
    %reduce_or3A_22 = vector.broadcast %reduce_or3A : f32 to vector<4096x1xf32>
    %reduce_or3A_23 = vector.broadcast %reduce_or3A_21 : f32 to vector<4096x1xf32>
    %reduce_or3A_24 = arith.select %ne3A_20, %reduce_or3A_22, %reduce_or3A_23 : vector<4096x1xi1>, vector<4096x1xf32>
    %reduce_or3A_25 = vector.shape_cast %reduce_or3A_24 : vector<4096x1xf32> to vector<1x4096x1xf32>
    %reduce_or3A_26 = arith.constant dense<0xFF800000> : vector<1xf32>
    %reduce_or3A_27 = vector.multi_reduction <maximumf>, %reduce_or3A_25, %reduce_or3A_26 [1, 2] : vector<1x4096x1xf32> to vector<1xf32>
    %reduce_or3A_28 = vector.shape_cast %reduce_or3A_27 : vector<1xf32> to vector<1x1x1xf32>
    %reduce_or3A_29 = vector.extract %reduce_or3A_28[0, 0, 0] : f32 from vector<1x1x1xf32>
    %reduce_or3A_30 = arith.constant 0.000000e+00 : f32
    %reduce_or3A_31 = arith.cmpf ogt, %reduce_or3A_29, %reduce_or3A_30 : f32
    %mul3A_32 = arith.mulf %reshape3A, %reshape3A : vector<4096x64xf32>
    %reduce_sum3A_33 = arith.constant dense<0.000000e+00> : vector<4096xf32>
    %reduce_sum3A_34 = vector.multi_reduction <add>, %mul3A_32, %reduce_sum3A_33 [1] : vector<4096x64xf32> to vector<4096xf32>
    %broadcast_in_dim3A_35 = vector.shape_cast %reduce_sum3A_34 : vector<4096xf32> to vector<4096x1xf32>
    %eq3A_36 = arith.constant 0 : i32
    %eq3A_37 = arith.cmpi eq, %arg0, %eq3A_36 : i32
    %eq3A_38 = arith.constant 0 : i32
    %eq3A_39 = arith.cmpi eq, %arg1, %eq3A_38 : i32
    %and3A = arith.andi %eq3A_37, %eq3A_39 : i1
    %convert_element_type3A_40 = arith.extui %and3A : i1 to i32
    %cond3A = arith.constant 0 : i32
    %cond3A_41 = arith.cmpi ne, %convert_element_type3A_40, %cond3A : i32
    scf.if %cond3A_41 {
      %broadcast_in_dim3A_70 = arith.constant 0.000000e+00 : f32
      %broadcast_in_dim3A_71 = vector.broadcast %broadcast_in_dim3A_70 : f32 to vector<1x1xf32>
      %swap3A_72 = arith.constant 0 : index
      %swap3A_73 = arith.constant 0 : index
      %swap3A_74 = vector.load %arg5[%swap3A_72, %swap3A_73] : memref<1x1xf32, #tpu.memory_space<vmem>>, vector<1x1xf32>
      tpu.vector_store %arg5[%swap3A_72, %swap3A_73], %broadcast_in_dim3A_71 {strides = array<i32>} : memref<1x1xf32, #tpu.memory_space<vmem>>, vector<1x1xf32>,
    } else {
    }
    %get3A_42 = arith.constant 0 : index
    %get3A_43 = arith.constant 0 : index
    %get3A_44 = vector.load %arg5[%get3A_42, %get3A_43] : memref<1x1xf32, #tpu.memory_space<vmem>>, vector<1x1xf32>
    %sub3A_45 = arith.subf %broadcast_in_dim3A_35, %broadcast_in_dim3A_12 : vector<4096x1xf32>
    %reduce_sum3A_46 = vector.shape_cast %sub3A_45 : vector<4096x1xf32> to vector<1x4096x1xf32>
    %reduce_sum3A_47 = arith.constant dense<0.000000e+00> : vector<1xf32>
    %reduce_sum3A_48 = vector.multi_reduction <add>, %reduce_sum3A_46, %reduce_sum3A_47 [1, 2] : vector<1x4096x1xf32> to vector<1xf32>
    %reduce_sum3A_49 = vector.shape_cast %reduce_sum3A_48 : vector<1xf32> to vector<1x1x1xf32>
    %reduce_sum3A_50 = vector.extract %reduce_sum3A_49[0, 0, 0] : f32 from vector<1x1x1xf32>
    %reshape3A_51 = vector.broadcast %reduce_sum3A_50 : f32 to vector<1x1xf32>
    %add3A_52 = arith.addf %get3A_44, %reshape3A_51 : vector<1x1xf32>
    %swap3A = arith.constant 0 : index
    %swap3A_53 = arith.constant 0 : index
    %swap3A_54 = vector.load %arg5[%swap3A, %swap3A_53] : memref<1x1xf32, #tpu.memory_space<vmem>>, vector<1x1xf32>
    tpu.vector_store %arg5[%swap3A, %swap3A_53], %add3A_52 {strides = array<i32>} : memref<1x1xf32, #tpu.memory_space<vmem>>, vector<1x1xf32>,
    %not3A = arith.constant true
    %not3A_55 = arith.xori %reduce_or3A_31, %not3A : i1
    %convert_element_type3A_56 = arith.extui %not3A_55 : i1 to i32
    %cond3A_57 = arith.constant 0 : i32
    %cond3A_58 = arith.cmpi ne, %convert_element_type3A_56, %cond3A_57 : i32
    scf.if %cond3A_58 {
      %reshape3A_70 = vector.shape_cast %slice3A : vector<4096x1xf32> to vector<16x256xf32>
      %convert_element_type3A_71 = arith.fptosi %reshape3A_70 : vector<16x256xf32> to vector<16x256xi32>
      %swap3A_72 = arith.constant 0 : index
      %swap3A_73 = arith.constant 0 : index
      %swap3A_74 = vector.load %arg4[%swap3A_72, %swap3A_73] : memref<16x256xi32, #tpu.memory_space<vmem>>, vector<16x256xi32>
      tpu.vector_store %arg4[%swap3A_72, %swap3A_73], %convert_element_type3A_71 {strides = array<i32>} : memref<16x256xi32, #tpu.memory_space<vmem>>, vector<16x256xi32>,
    } else {
    }
    %convert_element_type3A_59 = arith.extui %reduce_or3A_31 : i1 to i32
    %cond3A_60 = arith.constant 0 : i32
    %cond3A_61 = arith.cmpi ne, %convert_element_type3A_59, %cond3A_60 : i32
    scf.if %cond3A_61 {
      %argmax3A = tpu.reduce_index %sub3A_10 {axis = 1 : i32, kind = #tpu.reduction_kind<arg_max>} : vector<4096x1024xf32> -> vector<4096xi32>
      %reshape3A_70 = vector.shape_cast %argmax3A : vector<4096xi32> to vector<16x256xi32>
      %swap3A_71 = arith.constant 0 : index
      %swap3A_72 = arith.constant 0 : index
      %swap3A_73 = vector.load %arg4[%swap3A_71, %swap3A_72] : memref<16x256xi32, #tpu.memory_space<vmem>>, vector<16x256xi32>
      tpu.vector_store %arg4[%swap3A_71, %swap3A_72], %reshape3A_70 {strides = array<i32>} : memref<16x256xi32, #tpu.memory_space<vmem>>, vector<16x256xi32>,
    } else {
    }
    %eq3A_62 = arith.constant 0 : i32
    %eq3A_63 = arith.cmpi eq, %arg0, %eq3A_62 : i32
    %eq3A_64 = arith.constant 3 : i32
    %eq3A_65 = arith.cmpi eq, %arg1, %eq3A_64 : i32
    %and3A_66 = arith.andi %eq3A_63, %eq3A_65 : i1
    %convert_element_type3A_67 = arith.extui %and3A_66 : i1 to i32
    %cond3A_68 = arith.constant 0 : i32
    %cond3A_69 = arith.cmpi ne, %convert_element_type3A_67, %cond3A_68 : i32
    scf.if %cond3A_69 {
      %get3A_70 = arith.constant 0 : index
      %get3A_71 = arith.constant 0 : index
      %get3A_72 = vector.load %arg5[%get3A_70, %get3A_71] : memref<1x1xf32, #tpu.memory_space<vmem>>, vector<1x1xf32>
      %div3A = arith.constant 0x49800000 : f32
      %div3A_73 = vector.broadcast %div3A : f32 to vector<1x1xf32>
      %div3A_74 = arith.divf %get3A_72, %div3A_73 : vector<1x1xf32>
      %swap3A_75 = arith.constant 0 : index
      %swap3A_76 = arith.constant 0 : index
      %swap3A_77 = vector.load %arg5[%swap3A_75, %swap3A_76] : memref<1x1xf32, #tpu.memory_space<vmem>>, vector<1x1xf32>
      tpu.vector_store %arg5[%swap3A_75, %swap3A_76], %div3A_74 {strides = array<i32>} : memref<1x1xf32, #tpu.memory_space<vmem>>, vector<1x1xf32>,
    } else {
    }
    return
  }
  func.func @transform_0(%arg0: i32, %arg1: i32) -> (i32, i32, i32) {
    %c0_i32 = arith.constant 0 : i32
    %c0_i32_0 = arith.constant 0 : i32
    return %arg0, %arg1, %c0_i32 : i32, i32, i32
  }
  func.func @transform_1(%arg0: i32, %arg1: i32) -> (i32, i32) {
    %c0_i32 = arith.constant 0 : i32
    %c0_i32_0 = arith.constant 0 : i32
    %c0_i32_1 = arith.constant 0 : i32
    return %c0_i32, %c0_i32_0 : i32, i32
  }
  func.func @transform_2(%arg0: i32, %arg1: i32) -> (i32, i32) {
    %c0_i32 = arith.constant 0 : i32
    return %arg0, %arg1 : i32, i32
  }
  func.func @transform_3(%arg0: i32, %arg1: i32) -> (i32, i32) {
    %c0_i32 = arith.constant 0 : i32
    %c0_i32_0 = arith.constant 0 : i32
    %c0_i32_1 = arith.constant 0 : i32
    return %c0_i32, %c0_i32_0 : i32, i32
  }
}

</mosaic_0001>

<sc_bundles>
// kernel: kernel.4.cloned.1.call-start
scs
__scs_entry_jumppad:
0x0: {  	(pc) =	sbr.rel $0x88, $3  }
0x1: {  	(tag) =	ssettag $0x0;
	lr =	simm.s32 $0x1  }
0x2: {  	[smem:$0x3F9F] =	sst lr;
	_ =	strace $0xD0000000  }
0x3: {  	_ = 	snop  }
0x4: {  	_ = 	snop  }
0x5: {  	_ = 	snop  }
0x6: {  	_ = 	snop  }
0x7: {  	_ = 	snop  }
__scs_overlays_trampoline_lowered:
0x8: {  	[smem:$0x3FAE] =	sst s0  }
0x9: {  	[smem:$0x3FAF] =	sst s1  }
0xa: {  	[smem:$0x3FB0] =	sst s2  }
0xb: {  	[smem:$0x3FB1] =	sst s3  }
0xc: {  	[smem:$0x3FB2] =	sst s4  }
0xd: {  	[smem:$0x3FB3] =	sst s5  }
0xe: {  	[smem:$0x3FB4] =	sst s6  }
0xf: {  	[smem:$0x3FB5] =	sst s7  }
0x10: {  	[smem:$0x3FB6] =	sst s8  }
0x11: {  	[smem:$0x3FB7] =	sst s9;
	s0 =	simm.s32 @!p0 $0x0  }
0x12: {  	s1 =	sld [smem:$0x3F9D];
	s0 =	simm.s32 @p0 $0x1  }
0x13: {  	[smem:$0x3FB8] =	sst s0;
	s0 =	simm.s32 @!p1 $0x0  }
0x14: {  	s2 =	sld [smem:$0x3F9C];
	s0 =	simm.s32 @p1 $0x1  }
0x15: {  	[smem:$0x3FB9] =	sst s0;
	s0 =	simm.s32 @!p2 $0x0  }
0x16: {  	s3 =	sld [smem:$0x3FDB];
	s0 =	simm.s32 @p2 $0x1  }
0x17: {  	s4 =	simm.s32 $0x1BF5;
	[smem:$0x3FBB] =	sst s0  }
0x18: {  	s0 =	sld [smem:$0x3F9E];
	_ =	swait.ge [sflag:s4], $0x0  }
0x19: {  	s7 =	sld [smem:$0x3F9F]  }
0x1a: {  	s8 =	sadd.s32 $0xFFFFE003, lr  }
0x1b: {  	s9 =	sadd.s32 $0xFFFFFEF7, lr;
	s5 =	simm.s32 $0xFFFFFFFF;
	p2 =	slt.u32 s8, $0xFFFFF086  }
0x1c: {  	p1 =	slt.u32 s9, $0xF7A;
	s5 =	simm.s32 @!p2 $0x0  }
0x1d: {  	s5 =	simm.s32 @p1 $0x1;
	p0 =	seq.s32 s7, s2  }
0x1e: {  	s7 =	smul.u32 @!p0 $0xF7A, s2;
	p2 =	seq.s32 @!p0 s5, $0x0  }
0x1f: {  	s9 =	smul.u32 $0xF7A, s1;
	s8 =	simm.s32 @!p0 $0x1BF5;
	p2 =	por !p2, p0  }
0x20: {  	[sflag:s8] =	ssyncset.s32 @!p0 $0xFFFFF086;
	s6 =	sadd.s32 @!p0 s3, s7;
	s7 =	simm.s32 @!p0 $0x108  }
0x21: {  	s3 =	sadd.s32 s3, s9;
	s6 =	sadd.s32 @!p0 $0x88, s6;
	s7 =	simm.s32 @p2 $0x1082  }
0x22: {  	[simem:s7], [sflag:s8] =	dma.local @!p0 [hbm:s6], $0xF7A  }
0x23: {  	s9 =	sor.u32 $0xD0000000, s2;
	s6 =	simm.s32 $0x108;
	_ =	swait.ge @!p0 [sflag:s8], $0x0  }
0x24: {  	s3 =	sadd.s32 $0x88, s3;
	s6 =	simm.s32 @!p1 $0x1082;
	[sflag:s4] =	ssyncset.s32 $0xFFFFF086  }
0x25: {  	[simem:s6], [sflag:s4] =	dma.local [hbm:s3], $0xF7A  }
0x26: {  	[smem:$0x3F9F] =	sst s1;
	(tag) =	ssettag s2;
	_ =	strace s9  }
0x27: {  	s1 =	sld [smem:$0x3FAF]  }
0x28: {  	s2 =	sld [smem:$0x3FB0]  }
0x29: {  	s4 =	sld [smem:$0x3FB2]  }
0x2a: {  	p0 =	seq.s32 s5, $0x0;
	s5 =	sld [smem:$0x3FB3]  }
0x2b: {  	s6 =	sld [smem:$0x3FB4]  }
0x2c: {  	s7 =	sld [smem:$0x3FB5]  }
0x2d: {  	s3 =	simm.s32 $0x108;
	s8 =	sld [smem:$0x3FB6]  }
0x2e: {  	s3 =	simm.s32 @!p0 $0x1082;
	s9 =	sld [smem:$0x3FB7]  }
0x2f: {  	lr =	sadd.s32 s0, s3;
	s0 =	sld [smem:$0x3FAE]  }
0x30: {  	s3 =	sld [smem:$0x3FB1]  }
0x31: {  	[smem:$0x3FBA] =	sst s10  }
0x32: {  	s10 =	sld [smem:$0x3FB8];
	_ =	sdelay $0x3  }
0x33: {  	p0 =	seq.s32 s10, $0x1;
	s10 =	sld [smem:$0x3FBA];
	_ =	sdelay $0x3  }
0x34: {  	[smem:$0x3FBA] =	sst s10  }
0x35: {  	s10 =	sld [smem:$0x3FB9];
	_ =	sdelay $0x3  }
0x36: {  	p1 =	seq.s32 s10, $0x1;
	s10 =	sld [smem:$0x3FBA];
	_ =	sdelay $0x3  }
0x37: {  	[smem:$0x3FBA] =	sst s10  }
0x38: {  	s10 =	sld [smem:$0x3FBB]  }
0x39: {  	_ = 	snop;
	(pc) =	sbr.ind lr, $3  }
0x3a: {  	_ = 	snop  }
0x3b: {  	_ = 	snop  }
0x3c: {  	p2 =	seq.s32 s10, $0x1;
	s10 =	sld [smem:$0x3FBA]  }
0x3d: {  	_ =	shalt  }
0x3e: {  	_ =	shalt  }
0x3f: {  	_ =	shalt  }
0x40: {  	_ =	shalt  }
0x41: {  	_ =	shalt  }
0x42: {  	_ =	shalt  }
0x43: {  	_ =	shalt  }
0x44: {  	_ =	shalt  }
0x45: {  	_ =	shalt  }
0x46: {  	_ =	shalt  }
0x47: {  	_ =	shalt  }
0x48: {  	_ =	shalt  }
0x49: {  	_ =	shalt  }
0x4a: {  	_ =	shalt  }
0x4b: {  	_ =	shalt  }
0x4c: {  	_ =	shalt  }
0x4d: {  	_ =	shalt  }
0x4e: {  	_ =	shalt  }
0x4f: {  	_ =	shalt  }
0x50: {  	_ =	shalt  }
0x51: {  	_ =	shalt  }
0x52: {  	_ =	shalt  }
0x53: {  	_ =	shalt  }
0x54: {  	_ =	shalt  }
0x55: {  	_ =	shalt  }
0x56: {  	_ =	shalt  }
0x57: {  	_ =	shalt  }
0x58: {  	_ =	shalt  }
0x59: {  	_ =	shalt  }
0x5a: {  	_ =	shalt  }
0x5b: {  	_ =	shalt  }
0x5c: {  	_ =	shalt  }
0x5d: {  	_ =	shalt  }
0x5e: {  	_ =	shalt  }
0x5f: {  	_ =	shalt  }
0x60: {  	_ =	shalt  }
0x61: {  	_ =	shalt  }
0x62: {  	_ =	shalt  }
0x63: {  	_ =	shalt  }
0x64: {  	_ =	shalt  }
0x65: {  	_ =	shalt  }
0x66: {  	_ =	shalt  }
0x67: {  	_ =	shalt  }
0x68: {  	_ =	shalt  }
0x69: {  	_ =	shalt  }
0x6a: {  	_ =	shalt  }
0x6b: {  	_ =	shalt  }
0x6c: {  	_ =	shalt  }
0x6d: {  	_ =	shalt  }
0x6e: {  	_ =	shalt  }
0x6f: {  	_ =	shalt  }
0x70: {  	_ =	shalt  }
0x71: {  	_ =	shalt  }
0x72: {  	_ =	shalt  }
0x73: {  	_ =	shalt  }
0x74: {  	_ =	shalt  }
0x75: {  	_ =	shalt  }
0x76: {  	_ =	shalt  }
0x77: {  	_ =	shalt  }
0x78: {  	_ =	shalt  }
0x79: {  	_ =	shalt  }
0x7a: {  	_ =	shalt  }
0x7b: {  	_ =	shalt  }
0x7c: {  	_ =	shalt  }
0x7d: {  	_ =	shalt  }
0x7e: {  	_ =	shalt  }
0x7f: {  	_ =	shalt  }
0x80: {  	_ =	shalt  }
0x81: {  	_ =	shalt  }
0x82: {  	_ =	shalt  }
0x83: {  	_ =	shalt  }
0x84: {  	_ =	shalt  }
0x85: {  	_ =	shalt  }
0x86: {  	_ =	shalt  }
0x87: {  	_ =	shalt  }
.Lfunc_end0:
.L_simem_size_0:
called_computation_lowered:
.L_overlay_start_0:
0x88: {  	s2 =	sld [smem:$0x3FD9]  }
0x89: {  	s3 =	sld [smem:$0x3FFE];
	_ =	sdelay $0x1  }
0x8a: {  	s1 =	srdreg.scid  }
0x8b: {  	s0 =	sand.u32 $0x1, s1  }
0x8c: {  	s14 =	sshll.u32 s0, $0xA;
	s2 =	sadd.s32 s3, s2  }
0x8d: {  	s2 =	sadd.s32 s2, s14  }
0x8e: {  	[smem:$0x3FC6] =	sst s2  }
0x8f: {  	_ = 	snop  }
0x90: {  	s2 =	sld [smem:$0x3FD0];
	_ =	sdelay $0x2  }
0x91: {  	s15 =	simm.s32 $0xA;
	s4 =	simm.s32 $0x10  }
0x92: {  	[smem:s4], [sflag:s15] =	dma.local [hbm:s2], $0x1  }
0x93: {  	_ =	swait.eq [sflag:s15], $0x1  }
0x94: {  	[sflag:s15] =	ssyncset.done $0x0  }
0x95: {  	s16 =	sld [smem:$0x10];
	[sflag:s15] =	ssyncadd.s32 $0xFFFFFFFF  }
0x96: {  	s17 =	sld [smem:$0x12];
	(tm) =	ssettm $0x1  }
0x97: {  	s18 =	sld [smem:$0x3FFB];
	_ =	sdelay $0x3  }
0x98: {  	_ =	strace s18  }
0x99: {  	s4 =	sld [smem:$0x3FFC];
	_ =	sdelay $0x3  }
0x9a: {  	_ =	strace s4  }
0x9b: {  	s4 =	sld [smem:$0x3FFD];
	_ =	sdelay $0x3  }
0x9c: {  	_ =	strace s4  }
0x9d: {  	_ =	strace $0x8FFFFFFF  }
0x9e: {  	s19 =	sld [smem:$0x3FDB];
	_ =	sdelay $0x1  }
0x9f: {  	s5 =	simm.s32 $_scs_section_size  }
0xa0: {  	s6 =	simm.s32 $_size__tile_overlayer_lowered;
	s7 =	simm.s32 $_tile_overlayer_lowered  }
0xa1: {  	s22 =	simm.s32 $0x1BFF;
	s21 =	sshll.u32 s7, $0x1;
	s4 =	sadd.s32 s5, s19  }
0xa2: {  	s8 =	simm.s32 $0x0;
	s20 =	sshll.u32 s6, $0x1;
	s6 =	sadd.s32 s21, s4  }
0xa3: {  	[timem:s8], [sflag:s22] =	dma.local [hbm:s6], s20  }
0xa4: {  	_ =	swait.ge [sflag:s22], s20  }
0xa5: {  	s5 =	ssub.s32 $0x0, s20;
	[sflag:s22] =	ssyncset.done $0x0  }
0xa6: {  	[sflag:s22] =	ssyncadd.s32 s5;
	_ =	sdelay $0x1  }
0xa7: {  	s23 =	simm.s32 $0x1B8B  }
0xa8: {  	_ =	swait.ge [sflag:s23], $0x1  }
0xa9: {  	[sflag:s23] =	ssyncset.done $0x0  }
0xaa: {  	s25 =	simm.s32 $0x1B8E;
	s24 =	sld [smem:$0x3FFE];
	[sflag:s23] =	ssyncadd.s32 $0xFFFFFFFF  }
0xab: {  	s26 =	simm.s32 $execute0_lowered;
	[smem:$0x3FD2] =	sst s25  }
0xac: {  	s6 =	sshll.u32 s26, $0x1;
	_ =	strace $0x80000046;
	[dreg:$0x1] =	wrdreg $0xFFFFFFFF  }
0xad: {  	s28 =	simm.s32 $_size_execute0_lowered;
	s4 =	sadd.s32 s4, s6;
	[dreg:$0x0] =	wrdreg $0x0  }
0xae: {  	s6 =	sshll.u32 s28, $0x1;
	[dreg:$0x2] =	wrdreg s4  }
0xaf: {  	[dreg:$0x3] =	wrdreg s6  }
0xb0: {  	[dreg:$0x4] =	wrdreg $0xC0  }
0xb1: {  	_ =	task [dreg:s8], $0x5FFFF  }
0xb2: {  	[dreg:$0x1] =	wrdreg $0xFFFFFFFF  }
0xb3: {  	[dreg:$0x0] =	wrdreg $0x60  }
0xb4: {  	[dreg:$0x2] =	wrdreg s16  }
0xb5: {  	[dreg:$0x3] =	wrdreg s17  }
0xb6: {  	[dreg:$0x4] =	wrdreg s24  }
0xb7: {  	[dreg:$0x5] =	wrdreg $0x9  }
0xb8: {  	_ =	task.clear_ibuf [dreg:s8], $0x6FFFF;
	_ =	strace $0x90000046  }
0xb9: {  	s29 =	simm.s32 $0x9;
	_ =	strace $0x80000048  }
0xba: {  	_ =	swait.ge [sflag:s29], $0x1  }
0xbb: {  	[sflag:s29] =	ssyncadd.s32 $0xFFFFFFFF  }
0xbc: {  	_ =	strace $0x90000048  }
0xbd: {  	_ =	sfence  }
0xbe: {  	s30 =	sld [smem:$0x0];
	_ =	sdelay $0x2  }
0xbf: {  	s31 =	sshll.u32 s1, $0xD;
	s1 =	sshrl.u32 s1, $0x2  }
0xc0: {  	s3 =	sand.u32 $0x4000, s31;
	s1 =	sadd.s32 s1, s30  }
0xc1: {  	s0 =	sor.u32 s3, s0;
	s1 =	sshll.u32 s1, $0x11  }
0xc2: {  	s0 =	sor.u32 s1, s0  }
0xc3: {  	s0 =	sadd.s32 $0x8F2B, s0  }
0xc4: {  	[sflag:s0] =	ssyncadd.remote.s32 $0x1  }
0xc5: {  	_ =	sfence.sel $0xFFFF  }
0xc6: {  	[dreg:$0x0] =	wrdreg $0xFFFFFFFF;
	(pc) =	sbr.abs _section_cstart, $3  }
0xc7: {  	[dreg:$0x1] =	wrdreg $0xFFFFFFFF  }
0xc8: {  	_ =	task.clear_ibuf [dreg:s8], $0x2FFFF;
	_ =	strace $0x9FFFFFFF  }
0xc9: {  	(tm) =	ssettm $0x7FFFFFFF  }
tec
execute0_lowered:
.L_overlay_start_1:
0x0: {  	(tag) =	ssettag $0x1  }
0x1: {  	s1 =	srdreg.scid  }
0x2: {  	s0 =	stileid.u32;
	s9 =	sand.u32 $0x1, s1  }
0x3: {  	s1 =	sor.u32 s9, s0  }
0x4: {  	p1 =	seq.s32 s9, $0x1;
	p0 =	seq.s32 s1, $0x0  }
0x5: {  	s4 =	rddreg [dreg:$0x1];
	p0 =	por !p0, !p1  }
0x6: {  	s2 =	simm.s32 $0x1;
	s10 =	rddreg [dreg:$0x2];
	p0 =	por !p0, !p0  }
0x7: {  	s7 =	simm.s32 $0x400;
	s3 =	sshll.u32 s9, $0xC;
	s2 =	simm.s32 @!p0 $0x0  }
0x8: {  	s12 =	sshll.u32 s9, $0x10;
	s30 =	ssub.s32 $0x2, s9;
	s8 =	ssub.s32 s0, s2  }
0x9: {  	s9 =	simm.s32 $0x200;
	s1 =	rddreg [dreg:$0x0];
	s2 =	sshll.u32 s8, $0xA  }
0xa: {  	s13 =	sshrl.u32 s30, $0x1;
	s5 =	sshll.u32 s8, $0x7;
	s2 =	sand.u32 $0xFFFFE000, s2  }
0xb: {  	s11 =	sshll.u32 s8, $0x11;
	s5 =	sand.u32 $0x380, s5;
	s6 =	sor.u32 s3, s2  }
0xc: {  	s2 =	rddreg [dreg:$0x3];
	s3 =	simm.s32 $0x0;
	s5 =	sor.u32 s5, s6  }
0xd: {  	[smem:$0x7FF] =	sst s3;
	s6 =	simm.s32 $0x2;
	s5 =	sshrl.u32 s5, $0x3  }
0xe: {  	_ =	strace $0x80000047;
	s4 =	sadd.s32 s4, s5;
	s5 =	simm.s32 $0x80  }
0xf: {  	[tilespmem:s3], [sflag:$0x2] =	stream.strided.gather [hbm4b:s4+s5], $0x200, s7, s5, $0x38;
	[tilespmem:$0x10200] =	vst v63  }
0x10: {  	s31 =	ssub.s32 s30, s13;
	s11 =	sor.u32 s12, s11;
	_ =	swait.ge [sflag:s6], $0x200  }
0x11: {  	s8 =	simm.s32 $0x1;
	s11 =	sshrl.u32 s11, $0x3;
	[sflag:s6] =	ssyncset.done $0x0  }
0x12: {  	s10 =	sadd.s32 s11, s10;
	s11 =	smax.u32 s31, $0x1;
	[sflag:s6] =	ssyncadd.s32 $0xFFFFFE00  }
0x13: {  	[tilespmem:s9], [sflag:$0x1] =	stream.indirect.gather [hbm4b:s1+s9], $0x80, s3, s9, $0xb8;
	[tilespmem:$0x10200] =	vst v63  }
0x14: {  	p0 =	sne.s32 s11, $0x1;
	_ =	swait.ge [sflag:s8], $0x10000  }
.Ltmp0:
0x15: {  	[sflag:s8] =	ssyncset.done $0x0;
	(pc) =	sbr.rel @!p0 .LBB2_2-.Ltmp0, $4  }
0x16: {  	s10 =	sadd.s32 $0x800, s10;
	[sflag:s8] =	ssyncadd.s32 $0xFFFF0000  }
0x17: {  	[hbm4b:s10+s3] =	stream.linear.scatter [tilespmem:s9], [sflag:$0x2], $0x10000, $0x38;
	[tilespmem:$0x10200] =	vst v63  }
0x18: {  	_ =	swait.ge [sflag:s6], $0x10000  }
0x19: {  	s11 =	sadd.s32 $0xFFFFFFFF, s11;
	[sflag:s6] =	ssyncset.done $0x0  }
.LBB2_1:
0x1a: {  	p0 =	sne.s32 s11, $0x1;
	s11 =	sadd.s32 $0xFFFFFFFF, s11;
	[sflag:s6] =	ssyncadd.s32 $0xFFFF0000  }
0x1b: {  	[tilespmem:s3], [sflag:$0x2] =	stream.strided.gather [hbm4b:s4+s5], $0x200, s7, s5, $0x38;
	[tilespmem:$0x10200] =	vst v63  }
0x1c: {  	_ =	swait.ge [sflag:s6], $0x200  }
0x1d: {  	[sflag:s6] =	ssyncset.done $0x0  }
0x1e: {  	[sflag:s6] =	ssyncadd.s32 $0xFFFFFE00  }
0x1f: {  	[tilespmem:s9], [sflag:$0x1] =	stream.indirect.gather [hbm4b:s1+s9], $0x80, s3, s9, $0xb8;
	[tilespmem:$0x10200] =	vst v63  }
0x20: {  	_ =	swait.ge [sflag:s8], $0x10000  }
.Ltmp1:
0x21: {  	[sflag:s8] =	ssyncset.done $0x0;
	(pc) =	sbr.rel @p0 .LBB2_1-.Ltmp1, $4  }
0x22: {  	[sflag:s8] =	ssyncadd.s32 $0xFFFF0000  }
0x23: {  	[hbm4b:s10+s3] =	stream.linear.scatter [tilespmem:s9], [sflag:$0x2], $0x10000, $0x38;
	[tilespmem:$0x10200] =	vst v63  }
0x24: {  	_ =	swait.ge [sflag:s6], $0x10000  }
0x25: {  	[sflag:s6] =	ssyncset.done $0x0  }
.LBB2_2:
0x26: {  	[sflag:s6] =	ssyncadd.s32 $0xFFFF0000  }
0x27: {  	_ =	sfence.sel $0x180000  }
0x28: {  	[bflag:$0x0] =	sbarrier.arrive $0xFFFF  }
0x29: {  	p0 =	sne.s32 s0, $0x0;
	_ =	strace $0x90000047  }
0x2a: {  	s0 =	sadd.s32 @!p0 $0x100000, s2;
	[bflag:$0x2] =	sbarrier.arrive $0xFFFF  }
0x2b: {  	[sflag:s0] =	ssyncadd.tile.s32 @!p0 $0x1;
	_ =	shalt  }
.Lfunc_end2:
_tile_overlayer_lowered:
.L_overlay_start_2:
0x2c: {  	(tag) =	ssettag $0x2  }
0x2d: {  	s0 =	rddreg [dreg:$0x0];
	s2 =	stileid.u32  }
0x2e: {  	s1 =	rddreg [dreg:$0x1];
	p0 =	sne.s32 s2, $0x0  }
0x2f: {  	s3 =	rddreg [dreg:$0x2];
	[bflag:$0x3] =	sbarrier.arrive $0xFFFF;
	s2 =	simm.s32 @!p0 $0x1C02  }
0x30: {  	[timem:s3], [sflag:s2] =	dma.local @!p0 [hbm:s0], s1  }
0x31: {  	s0 =	simm.s32 @!p0 $0x2  }
0x32: {  	_ =	swait.ge @!p0 [sflag:s0], s1  }
0x33: {  	s1 =	ssub.s32 @!p0 $0x0, s1;
	[sflag:s0] =	ssyncset.done @!p0 $0x0  }
0x34: {  	[sflag:s0] =	ssyncadd.s32 @!p0 s1  }
0x35: {  	[bflag:$0x3] =	sbarrier.arrive $0xFFFF  }
0x36: {  	_ =	shalt  }

</sc_bundles>
